<compile_context>
chip_gen: v7x
topology: tpu7x:2x2x1
jax: 0.10.2.dev20260603
libtpu: 0.0.44.dev20260713+nightly
codegen_flags: <defaults>
</compile_context>

<pallas_src>
import jax
import jax.numpy as jnp
from jax import lax
from jax.experimental import pallas as pl
from jax.experimental.pallas import tpu as pltpu
from jax.experimental.pallas import tpu_sc as plsc


_DB = 4


def _fill_body(o_ref):
    o_ref[...] = jnp.zeros_like(o_ref)


def _sc_scatter_winners(N, C, D, H, W):
    info = plsc.get_sparse_core_info()
    num_workers = info.num_cores * info.num_subcores
    channels = N * C
    per_worker = channels // num_workers
    mesh = plsc.VectorSubcoreMesh(core_axis_name="c", subcore_axis_name="s")

    @pl.kernel(
        mesh=mesh,
        compiler_params=pltpu.CompilerParams(needs_layout_passes=False),
        scratch_types=[
            pltpu.VMEM((16,), jnp.float32),
            pltpu.VMEM((16,), jnp.float32),
        ],
    )
    def scatter(x_hbm, out_hbm, xv, ov):
        wid = lax.axis_index("s") * info.num_cores + lax.axis_index("c")
        for t in range(per_worker):
            ch = wid * per_worker + t
            n = ch // C
            c = ch % C
            pltpu.sync_copy(
                x_hbm.at[n, c, D - 1, H - 1, pl.ds(W - 16, 16)], xv
            )
            lane = lax.broadcasted_iota(jnp.int32, (16,), 0)
            winner = plsc.load_gather(xv, [jnp.full((16,), 15, jnp.int32)])
            ov[...] = jnp.where(lane == 1, winner, 0.0)
            pltpu.sync_copy(ov, out_hbm.at[n, c, 0, 0, pl.ds(0, 16)])

    return scatter


def kernel(x):
    N, C, D, H, W = x.shape
    Do, Ho, Wo = 2 * D, 2 * H, 2 * W

    filled = pl.pallas_call(
        _fill_body,
        grid=(Do // _DB,),
        out_specs=pl.BlockSpec((N, C, _DB, Ho, Wo), lambda j: (0, 0, j, 0, 0)),
        out_shape=jax.ShapeDtypeStruct((N, C, Do, Ho, Wo), x.dtype),
        compiler_params=pltpu.CompilerParams(
            dimension_semantics=("parallel",),
        ),
    )()

    out_ref = jax.new_ref(filled)
    _sc_scatter_winners(N, C, D, H, W)(x, out_ref)
    return out_ref[...]

# --- scband reference (transcript-rebuilt; emitter-appended) ---
"""Pipeline reference for scband-my-model-61933428410407 (READ-ONLY COPY).

The authoritative reference and input builder live on the scoring server;
editing this copy changes nothing except your own understanding.
"""

import jax, jax.numpy as jnp
import numpy as np


def setup_inputs(seed: int = 0) -> dict:
    key = jax.random.key(seed)
    x = jax.random.normal(key, (2, 32, 32, 64, 64), dtype=jnp.float32)
    return {"x": x}


def reference(x):
    # MaxUnpool3d(kernel_size=2, stride=2) with indices = ones_like(x).long()
    # PyTorch semantics: output spatial volume is (2D, 2H, 2W); each input value
    # is scattered (overwrite) into the flattened spatial output at its index.
    # Here every index == 1, so all values collide at flat position 1 per (n, c)
    # channel; one write wins (scatter-overwrite), rest of output stays zero.
    N, C, D, H, W = x.shape
    Do, Ho, Wo = D * 2, H * 2, W * 2
    Lout = Do * Ho * Wo
    x_flat = x.reshape(N, C, -1)
    idx = jnp.ones(x_flat.shape, dtype=jnp.int32)
    n_idx = jnp.arange(N)[:, None, None]
    c_idx = jnp.arange(C)[None, :, None]
    out = jnp.zeros((N, C, Lout), dtype=x.dtype)
    out = out.at[n_idx, c_idx, idx].set(x_flat)
    return out.reshape(N, C, Do, Ho, Wo)

if __name__ == "__main__":
    import jax
    _d = setup_inputs()
    print(jax.jit(kernel)(*tuple(_d.values())))

</pallas_src>

<mosaic_0001>
#map = affine_map<(d0, d1) -> (0, 0, 0, 0, 0)>
module attributes {stable_mosaic.version = 14 : i64} {
  func.func @new_body(%arg0: i32, %arg1: i32, %arg2: memref<2x32x32x64x64xf32, #tpu.memory_space<hbm>>, %arg3: memref<2x32x64x128x128xf32, #tpu.memory_space<hbm>>, %arg4: memref<2x32x64x128x128xf32, #tpu.memory_space<hbm>>, %arg5: memref<16xf32, #tpu.memory_space<vmem>>, %arg6: memref<16xf32, #tpu.memory_space<vmem>>) attributes {dimension_semantics = [#tpu.dimension_semantics<core_parallel>, #tpu.dimension_semantics<subcore_parallel>], iteration_bounds = array<i64: 2, 16>, scalar_prefetch = 0 : i64, scratch_operands = 2 : i64, tpu.core_type = #tpu.core_type<sc_vector_subcore>, window_params = [{transform_indices = #map}, {transform_indices = #map}, {transform_indices = #map}]} {
    %mul3A = arith.constant 2 : i32
    %mul3A_0 = arith.muli %arg1, %mul3A : i32
    %add3A = arith.addi %mul3A_0, %arg0 : i32
    %mul3A_1 = arith.constant 2 : i32
    %mul3A_2 = arith.muli %add3A, %mul3A_1 : i32
    %add3A_3 = arith.constant 0 : i32
    %add3A_4 = arith.addi %mul3A_2, %add3A_3 : i32
    %jit3A = arith.constant 32 : i32
    %div3A = arith.divsi %add3A_4, %jit3A : i32
    %sign3A = arith.constant 0 : i32
    %sign3A_5 = arith.cmpi sgt, %add3A_4, %sign3A : i32
    %sign3A_6 = arith.extui %sign3A_5 : i1 to i32
    %sign3A_7 = arith.constant 0 : i32
    %sign3A_8 = arith.cmpi slt, %add3A_4, %sign3A_7 : i32
    %sign3A_9 = arith.extui %sign3A_8 : i1 to i32
    %sign3A_10 = arith.subi %sign3A_6, %sign3A_9 : i32
    %sign3A_11 = arith.constant 0 : i32
    %sign3A_12 = arith.cmpi sgt, %jit3A, %sign3A_11 : i32
    %sign3A_13 = arith.extui %sign3A_12 : i1 to i32
    %sign3A_14 = arith.constant 0 : i32
    %sign3A_15 = arith.cmpi slt, %jit3A, %sign3A_14 : i32
    %sign3A_16 = arith.extui %sign3A_15 : i1 to i32
    %sign3A_17 = arith.subi %sign3A_13, %sign3A_16 : i32
    %ne3A = arith.cmpi ne, %sign3A_10, %sign3A_17 : i32
    %rem3A = arith.remsi %add3A_4, %jit3A : i32
    %ne3A_18 = arith.constant 0 : i32
    %ne3A_19 = arith.cmpi ne, %rem3A, %ne3A_18 : i32
    %and3A = arith.andi %ne3A, %ne3A_19 : i1
    %sub3A = arith.constant 1 : i32
    %sub3A_20 = arith.subi %div3A, %sub3A : i32
    %select_n3A = arith.select %and3A, %sub3A_20, %div3A : i32
    %jit3A_21 = arith.constant 32 : i32
    %eq3A = arith.constant 0 : i32
    %eq3A_22 = arith.cmpi eq, %jit3A_21, %eq3A : i32
    %jit3A_23 = arith.constant 1 : i32
    %select_n3A_24 = arith.select %eq3A_22, %jit3A_23, %jit3A_21 : i32
    %rem3A_25 = arith.remsi %add3A_4, %select_n3A_24 : i32
    %ne3A_26 = arith.constant 0 : i32
    %ne3A_27 = arith.cmpi ne, %rem3A_25, %ne3A_26 : i32
    %lt3A = arith.constant 0 : i32
    %lt3A_28 = arith.cmpi slt, %rem3A_25, %lt3A : i32
    %lt3A_29 = arith.constant 0 : i32
    %lt3A_30 = arith.cmpi slt, %select_n3A_24, %lt3A_29 : i32
    %ne3A_31 = arith.xori %lt3A_28, %lt3A_30 : i1
    %and3A_32 = arith.andi %ne3A_31, %ne3A_27 : i1
    %add3A_33 = arith.addi %rem3A_25, %select_n3A_24 : i32
    %select_n3A_34 = arith.select %and3A_32, %add3A_33, %rem3A_25 : i32
    %run_scoped3A = arith.constant 31 : i32
    %run_scoped3A_35 = arith.constant 63 : i32
    "tpu.region"() ({
      %run_scoped3A_106 = tpu.sem_alloc : memref<!tpu.dma_semaphore, #tpu.memory_space<semaphore_mem>>
      %dma_start3A = arith.constant 48 : i32
      %dma_start3A_107 = tpu.memref_slice %arg2[%select_n3A, %select_n3A_34, %run_scoped3A, %run_scoped3A_35, %dma_start3A] : memref<2x32x32x64x64xf32, #tpu.memory_space<hbm>> -> memref<1x1x1x1x16xf32, #tpu.memory_space<hbm>>
      %dma_start3A_108 = tpu.memref_squeeze %dma_start3A_107 : memref<1x1x1x1x16xf32, #tpu.memory_space<hbm>> -> memref<16xf32, #tpu.memory_space<hbm>>
      %dma_start3A_109 = arith.constant 48 : i32
      %dma_start3A_110 = tpu.memref_slice %arg2[%select_n3A, %select_n3A_34, %run_scoped3A, %run_scoped3A_35, %dma_start3A_109] : memref<2x32x32x64x64xf32, #tpu.memory_space<hbm>> -> memref<1x1x1x1x16xf32, #tpu.memory_space<hbm>>
      %dma_start3A_111 = tpu.memref_squeeze %dma_start3A_110 : memref<1x1x1x1x16xf32, #tpu.memory_space<hbm>> -> memref<16xf32, #tpu.memory_space<hbm>>
      tpu.enqueue_dma source(%dma_start3A_111 : memref<16xf32, #tpu.memory_space<hbm>>) target(%arg5 : memref<16xf32, #tpu.memory_space<vmem>>) target_semaphore(%run_scoped3A_106 : memref<!tpu.dma_semaphore, #tpu.memory_space<semaphore_mem>>)
      %dma_wait3A = arith.constant 48 : i32
      %dma_wait3A_112 = tpu.memref_slice %arg2[%select_n3A, %select_n3A_34, %run_scoped3A, %run_scoped3A_35, %dma_wait3A] : memref<2x32x32x64x64xf32, #tpu.memory_space<hbm>> -> memref<1x1x1x1x16xf32, #tpu.memory_space<hbm>>
      %dma_wait3A_113 = tpu.memref_squeeze %dma_wait3A_112 : memref<1x1x1x1x16xf32, #tpu.memory_space<hbm>> -> memref<16xf32, #tpu.memory_space<hbm>>
      %dma_wait3A_114 = arith.constant 48 : i32
      %dma_wait3A_115 = tpu.memref_slice %arg2[%select_n3A, %select_n3A_34, %run_scoped3A, %run_scoped3A_35, %dma_wait3A_114] : memref<2x32x32x64x64xf32, #tpu.memory_space<hbm>> -> memref<1x1x1x1x16xf32, #tpu.memory_space<hbm>>
      %dma_wait3A_116 = tpu.memref_squeeze %dma_wait3A_115 : memref<1x1x1x1x16xf32, #tpu.memory_space<hbm>> -> memref<16xf32, #tpu.memory_space<hbm>>
      tpu.wait_dma2 semaphore(%run_scoped3A_106 : memref<!tpu.dma_semaphore, #tpu.memory_space<semaphore_mem>>) src(%dma_wait3A_116 : memref<16xf32, #tpu.memory_space<hbm>>) dst(%arg5 : memref<16xf32, #tpu.memory_space<vmem>>)
      tpu.yield
    }) : () -> ()
    %iota3A = tpu.iota {dimensions = array<i32: 0>} : vector<16xi32>
    %broadcast_in_dim3A = arith.constant 15 : i32
    %broadcast_in_dim3A_36 = vector.broadcast %broadcast_in_dim3A : i32 to vector<16xi32>
    %gather3A = tpu.vector_load_idx %arg5[%broadcast_in_dim3A_36] : memref<16xf32, #tpu.memory_space<vmem>>[vector<16xi32>], vector<16xf32>,
    %eq3A_37 = arith.constant 1 : i32
    %eq3A_38 = vector.broadcast %eq3A_37 : i32 to vector<16xi32>
    %eq3A_39 = arith.cmpi eq, %iota3A, %eq3A_38 : vector<16xi32>
    %jit3A_40 = arith.constant 0.000000e+00 : f32
    %broadcast_in_dim3A_41 = vector.broadcast %jit3A_40 : f32 to vector<16xf32>
    %select_n3A_42 = arith.select %eq3A_39, %gather3A, %broadcast_in_dim3A_41 : vector<16xi1>, vector<16xf32>
    %swap3A = arith.constant 0 : index
    %swap3A_43 = tpu.vector_load %arg6[%swap3A] {strides = array<i32>} : memref<16xf32, #tpu.memory_space<vmem>>, vector<16xf32>,
    tpu.vector_store %arg6[%swap3A], %select_n3A_42 {strides = array<i32>} : memref<16xf32, #tpu.memory_space<vmem>>, vector<16xf32>,
    %run_scoped3A_44 = arith.constant 0 : i32
    %run_scoped3A_45 = arith.constant 0 : i32
    "tpu.region"() ({
      %run_scoped3A_106 = tpu.sem_alloc : memref<!tpu.dma_semaphore, #tpu.memory_space<semaphore_mem>>
      %dma_start3A = arith.constant 0 : i32
      %dma_start3A_107 = tpu.memref_slice %arg3[%select_n3A, %select_n3A_34, %run_scoped3A_44, %run_scoped3A_45, %dma_start3A] : memref<2x32x64x128x128xf32, #tpu.memory_space<hbm>> -> memref<1x1x1x1x16xf32, #tpu.memory_space<hbm>>
      %dma_start3A_108 = tpu.memref_squeeze %dma_start3A_107 : memref<1x1x1x1x16xf32, #tpu.memory_space<hbm>> -> memref<16xf32, #tpu.memory_space<hbm>>
      %dma_start3A_109 = arith.constant 0 : i32
      %dma_start3A_110 = tpu.memref_slice %arg3[%select_n3A, %select_n3A_34, %run_scoped3A_44, %run_scoped3A_45, %dma_start3A_109] : memref<2x32x64x128x128xf32, #tpu.memory_space<hbm>> -> memref<1x1x1x1x16xf32, #tpu.memory_space<hbm>>
      %dma_start3A_111 = tpu.memref_squeeze %dma_start3A_110 : memref<1x1x1x1x16xf32, #tpu.memory_space<hbm>> -> memref<16xf32, #tpu.memory_space<hbm>>
      tpu.enqueue_dma source(%arg6 : memref<16xf32, #tpu.memory_space<vmem>>) target(%dma_start3A_111 : memref<16xf32, #tpu.memory_space<hbm>>) target_semaphore(%run_scoped3A_106 : memref<!tpu.dma_semaphore, #tpu.memory_space<semaphore_mem>>)
      %dma_wait3A = arith.constant 0 : i32
      %dma_wait3A_112 = tpu.memref_slice %arg3[%select_n3A, %select_n3A_34, %run_scoped3A_44, %run_scoped3A_45, %dma_wait3A] : memref<2x32x64x128x128xf32, #tpu.memory_space<hbm>> -> memref<1x1x1x1x16xf32, #tpu.memory_space<hbm>>
      %dma_wait3A_113 = tpu.memref_squeeze %dma_wait3A_112 : memref<1x1x1x1x16xf32, #tpu.memory_space<hbm>> -> memref<16xf32, #tpu.memory_space<hbm>>
      %dma_wait3A_114 = arith.constant 0 : i32
      %dma_wait3A_115 = tpu.memref_slice %arg3[%select_n3A, %select_n3A_34, %run_scoped3A_44, %run_scoped3A_45, %dma_wait3A_114] : memref<2x32x64x128x128xf32, #tpu.memory_space<hbm>> -> memref<1x1x1x1x16xf32, #tpu.memory_space<hbm>>
      %dma_wait3A_116 = tpu.memref_squeeze %dma_wait3A_115 : memref<1x1x1x1x16xf32, #tpu.memory_space<hbm>> -> memref<16xf32, #tpu.memory_space<hbm>>
      tpu.wait_dma2 semaphore(%run_scoped3A_106 : memref<!tpu.dma_semaphore, #tpu.memory_space<semaphore_mem>>) src(%arg6 : memref<16xf32, #tpu.memory_space<vmem>>) dst(%dma_wait3A_116 : memref<16xf32, #tpu.memory_space<hbm>>)
      tpu.yield
    }) : () -> ()
    %mul3A_46 = arith.constant 2 : i32
    %mul3A_47 = arith.muli %add3A, %mul3A_46 : i32
    %add3A_48 = arith.constant 1 : i32
    %add3A_49 = arith.addi %mul3A_47, %add3A_48 : i32
    %jit3A_50 = arith.constant 32 : i32
    %div3A_51 = arith.divsi %add3A_49, %jit3A_50 : i32
    %sign3A_52 = arith.constant 0 : i32
    %sign3A_53 = arith.cmpi sgt, %add3A_49, %sign3A_52 : i32
    %sign3A_54 = arith.extui %sign3A_53 : i1 to i32
    %sign3A_55 = arith.constant 0 : i32
    %sign3A_56 = arith.cmpi slt, %add3A_49, %sign3A_55 : i32
    %sign3A_57 = arith.extui %sign3A_56 : i1 to i32
    %sign3A_58 = arith.subi %sign3A_54, %sign3A_57 : i32
    %sign3A_59 = arith.constant 0 : i32
    %sign3A_60 = arith.cmpi sgt, %jit3A_50, %sign3A_59 : i32
    %sign3A_61 = arith.extui %sign3A_60 : i1 to i32
    %sign3A_62 = arith.constant 0 : i32
    %sign3A_63 = arith.cmpi slt, %jit3A_50, %sign3A_62 : i32
    %sign3A_64 = arith.extui %sign3A_63 : i1 to i32
    %sign3A_65 = arith.subi %sign3A_61, %sign3A_64 : i32
    %ne3A_66 = arith.cmpi ne, %sign3A_58, %sign3A_65 : i32
    %rem3A_67 = arith.remsi %add3A_49, %jit3A_50 : i32
    %ne3A_68 = arith.constant 0 : i32
    %ne3A_69 = arith.cmpi ne, %rem3A_67, %ne3A_68 : i32
    %and3A_70 = arith.andi %ne3A_66, %ne3A_69 : i1
    %sub3A_71 = arith.constant 1 : i32
    %sub3A_72 = arith.subi %div3A_51, %sub3A_71 : i32
    %select_n3A_73 = arith.select %and3A_70, %sub3A_72, %div3A_51 : i32
    %jit3A_74 = arith.constant 32 : i32
    %eq3A_75 = arith.constant 0 : i32
    %eq3A_76 = arith.cmpi eq, %jit3A_74, %eq3A_75 : i32
    %jit3A_77 = arith.constant 1 : i32
    %select_n3A_78 = arith.select %eq3A_76, %jit3A_77, %jit3A_74 : i32
    %rem3A_79 = arith.remsi %add3A_49, %select_n3A_78 : i32
    %ne3A_80 = arith.constant 0 : i32
    %ne3A_81 = arith.cmpi ne, %rem3A_79, %ne3A_80 : i32
    %lt3A_82 = arith.constant 0 : i32
    %lt3A_83 = arith.cmpi slt, %rem3A_79, %lt3A_82 : i32
    %lt3A_84 = arith.constant 0 : i32
    %lt3A_85 = arith.cmpi slt, %select_n3A_78, %lt3A_84 : i32
    %ne3A_86 = arith.xori %lt3A_83, %lt3A_85 : i1
    %and3A_87 = arith.andi %ne3A_86, %ne3A_81 : i1
    %add3A_88 = arith.addi %rem3A_79, %select_n3A_78 : i32
    %select_n3A_89 = arith.select %and3A_87, %add3A_88, %rem3A_79 : i32
    %run_scoped3A_90 = arith.constant 31 : i32
    %run_scoped3A_91 = arith.constant 63 : i32
    "tpu.region"() ({
      %run_scoped3A_106 = tpu.sem_alloc : memref<!tpu.dma_semaphore, #tpu.memory_space<semaphore_mem>>
      %dma_start3A = arith.constant 48 : i32
      %dma_start3A_107 = tpu.memref_slice %arg2[%select_n3A_73, %select_n3A_89, %run_scoped3A_90, %run_scoped3A_91, %dma_start3A] : memref<2x32x32x64x64xf32, #tpu.memory_space<hbm>> -> memref<1x1x1x1x16xf32, #tpu.memory_space<hbm>>
      %dma_start3A_108 = tpu.memref_squeeze %dma_start3A_107 : memref<1x1x1x1x16xf32, #tpu.memory_space<hbm>> -> memref<16xf32, #tpu.memory_space<hbm>>
      %dma_start3A_109 = arith.constant 48 : i32
      %dma_start3A_110 = tpu.memref_slice %arg2[%select_n3A_73, %select_n3A_89, %run_scoped3A_90, %run_scoped3A_91, %dma_start3A_109] : memref<2x32x32x64x64xf32, #tpu.memory_space<hbm>> -> memref<1x1x1x1x16xf32, #tpu.memory_space<hbm>>
      %dma_start3A_111 = tpu.memref_squeeze %dma_start3A_110 : memref<1x1x1x1x16xf32, #tpu.memory_space<hbm>> -> memref<16xf32, #tpu.memory_space<hbm>>
      tpu.enqueue_dma source(%dma_start3A_111 : memref<16xf32, #tpu.memory_space<hbm>>) target(%arg5 : memref<16xf32, #tpu.memory_space<vmem>>) target_semaphore(%run_scoped3A_106 : memref<!tpu.dma_semaphore, #tpu.memory_space<semaphore_mem>>)
      %dma_wait3A = arith.constant 48 : i32
      %dma_wait3A_112 = tpu.memref_slice %arg2[%select_n3A_73, %select_n3A_89, %run_scoped3A_90, %run_scoped3A_91, %dma_wait3A] : memref<2x32x32x64x64xf32, #tpu.memory_space<hbm>> -> memref<1x1x1x1x16xf32, #tpu.memory_space<hbm>>
      %dma_wait3A_113 = tpu.memref_squeeze %dma_wait3A_112 : memref<1x1x1x1x16xf32, #tpu.memory_space<hbm>> -> memref<16xf32, #tpu.memory_space<hbm>>
      %dma_wait3A_114 = arith.constant 48 : i32
      %dma_wait3A_115 = tpu.memref_slice %arg2[%select_n3A_73, %select_n3A_89, %run_scoped3A_90, %run_scoped3A_91, %dma_wait3A_114] : memref<2x32x32x64x64xf32, #tpu.memory_space<hbm>> -> memref<1x1x1x1x16xf32, #tpu.memory_space<hbm>>
      %dma_wait3A_116 = tpu.memref_squeeze %dma_wait3A_115 : memref<1x1x1x1x16xf32, #tpu.memory_space<hbm>> -> memref<16xf32, #tpu.memory_space<hbm>>
      tpu.wait_dma2 semaphore(%run_scoped3A_106 : memref<!tpu.dma_semaphore, #tpu.memory_space<semaphore_mem>>) src(%dma_wait3A_116 : memref<16xf32, #tpu.memory_space<hbm>>) dst(%arg5 : memref<16xf32, #tpu.memory_space<vmem>>)
      tpu.yield
    }) : () -> ()
    %iota3A_92 = tpu.iota {dimensions = array<i32: 0>} : vector<16xi32>
    %broadcast_in_dim3A_93 = arith.constant 15 : i32
    %broadcast_in_dim3A_94 = vector.broadcast %broadcast_in_dim3A_93 : i32 to vector<16xi32>
    %gather3A_95 = tpu.vector_load_idx %arg5[%broadcast_in_dim3A_94] : memref<16xf32, #tpu.memory_space<vmem>>[vector<16xi32>], vector<16xf32>,
    %eq3A_96 = arith.constant 1 : i32
    %eq3A_97 = vector.broadcast %eq3A_96 : i32 to vector<16xi32>
    %eq3A_98 = arith.cmpi eq, %iota3A_92, %eq3A_97 : vector<16xi32>
    %jit3A_99 = arith.constant 0.000000e+00 : f32
    %broadcast_in_dim3A_100 = vector.broadcast %jit3A_99 : f32 to vector<16xf32>
    %select_n3A_101 = arith.select %eq3A_98, %gather3A_95, %broadcast_in_dim3A_100 : vector<16xi1>, vector<16xf32>
    %swap3A_102 = arith.constant 0 : index
    %swap3A_103 = tpu.vector_load %arg6[%swap3A_102] {strides = array<i32>} : memref<16xf32, #tpu.memory_space<vmem>>, vector<16xf32>,
    tpu.vector_store %arg6[%swap3A_102], %select_n3A_101 {strides = array<i32>} : memref<16xf32, #tpu.memory_space<vmem>>, vector<16xf32>,
    %run_scoped3A_104 = arith.constant 0 : i32
    %run_scoped3A_105 = arith.constant 0 : i32
    "tpu.region"() ({
      %run_scoped3A_106 = tpu.sem_alloc : memref<!tpu.dma_semaphore, #tpu.memory_space<semaphore_mem>>
      %dma_start3A = arith.constant 0 : i32
      %dma_start3A_107 = tpu.memref_slice %arg3[%select_n3A_73, %select_n3A_89, %run_scoped3A_104, %run_scoped3A_105, %dma_start3A] : memref<2x32x64x128x128xf32, #tpu.memory_space<hbm>> -> memref<1x1x1x1x16xf32, #tpu.memory_space<hbm>>
      %dma_start3A_108 = tpu.memref_squeeze %dma_start3A_107 : memref<1x1x1x1x16xf32, #tpu.memory_space<hbm>> -> memref<16xf32, #tpu.memory_space<hbm>>
      %dma_start3A_109 = arith.constant 0 : i32
      %dma_start3A_110 = tpu.memref_slice %arg3[%select_n3A_73, %select_n3A_89, %run_scoped3A_104, %run_scoped3A_105, %dma_start3A_109] : memref<2x32x64x128x128xf32, #tpu.memory_space<hbm>> -> memref<1x1x1x1x16xf32, #tpu.memory_space<hbm>>
      %dma_start3A_111 = tpu.memref_squeeze %dma_start3A_110 : memref<1x1x1x1x16xf32, #tpu.memory_space<hbm>> -> memref<16xf32, #tpu.memory_space<hbm>>
      tpu.enqueue_dma source(%arg6 : memref<16xf32, #tpu.memory_space<vmem>>) target(%dma_start3A_111 : memref<16xf32, #tpu.memory_space<hbm>>) target_semaphore(%run_scoped3A_106 : memref<!tpu.dma_semaphore, #tpu.memory_space<semaphore_mem>>)
      %dma_wait3A = arith.constant 0 : i32
      %dma_wait3A_112 = tpu.memref_slice %arg3[%select_n3A_73, %select_n3A_89, %run_scoped3A_104, %run_scoped3A_105, %dma_wait3A] : memref<2x32x64x128x128xf32, #tpu.memory_space<hbm>> -> memref<1x1x1x1x16xf32, #tpu.memory_space<hbm>>
      %dma_wait3A_113 = tpu.memref_squeeze %dma_wait3A_112 : memref<1x1x1x1x16xf32, #tpu.memory_space<hbm>> -> memref<16xf32, #tpu.memory_space<hbm>>
      %dma_wait3A_114 = arith.constant 0 : i32
      %dma_wait3A_115 = tpu.memref_slice %arg3[%select_n3A_73, %select_n3A_89, %run_scoped3A_104, %run_scoped3A_105, %dma_wait3A_114] : memref<2x32x64x128x128xf32, #tpu.memory_space<hbm>> -> memref<1x1x1x1x16xf32, #tpu.memory_space<hbm>>
      %dma_wait3A_116 = tpu.memref_squeeze %dma_wait3A_115 : memref<1x1x1x1x16xf32, #tpu.memory_space<hbm>> -> memref<16xf32, #tpu.memory_space<hbm>>
      tpu.wait_dma2 semaphore(%run_scoped3A_106 : memref<!tpu.dma_semaphore, #tpu.memory_space<semaphore_mem>>) src(%arg6 : memref<16xf32, #tpu.memory_space<vmem>>) dst(%dma_wait3A_116 : memref<16xf32, #tpu.memory_space<hbm>>)
      tpu.yield
    }) : () -> ()
    return
  }
}

module attributes {stable_mosaic.version = 14 : i64} {
  func.func @_fill_body(%arg0: i32, %arg1: memref<2x32x4x128x128xf32, #tpu.memory_space<vmem>>) attributes {dimension_semantics = [#tpu.dimension_semantics<parallel>], iteration_bounds = array<i64: 16>, scalar_prefetch = 0 : i64, scratch_operands = 0 : i64, tpu.core_type = #tpu.core_type<tc>, window_params = [{transform_indices = @transform_0, window_bounds = array<i64: 2, 32, 4, 128, 128>}]} {
    %broadcast_in_dim3A = arith.constant 0.000000e+00 : f32
    %broadcast_in_dim3A_0 = vector.broadcast %broadcast_in_dim3A : f32 to vector<2x32x4x128x128xf32>
    %swap3A = arith.constant 0 : index
    %swap3A_1 = arith.constant 0 : index
    %swap3A_2 = arith.constant 0 : index
    %swap3A_3 = arith.constant 0 : index
    %swap3A_4 = arith.constant 0 : index
    %swap3A_5 = vector.load %arg1[%swap3A, %swap3A_1, %swap3A_2, %swap3A_3, %swap3A_4] : memref<2x32x4x128x128xf32, #tpu.memory_space<vmem>>, vector<2x32x4x128x128xf32>
    tpu.vector_store %arg1[%swap3A, %swap3A_1, %swap3A_2, %swap3A_3, %swap3A_4], %broadcast_in_dim3A_0 {strides = array<i32>} : memref<2x32x4x128x128xf32, #tpu.memory_space<vmem>>, vector<2x32x4x128x128xf32>,
    return
  }
  func.func @transform_0(%arg0: i32) -> (i32, i32, i32, i32, i32) {
    %c0_i32 = arith.constant 0 : i32
    %c0_i32_0 = arith.constant 0 : i32
    %c0_i32_1 = arith.constant 0 : i32
    %c0_i32_2 = arith.constant 0 : i32
    %c0_i32_3 = arith.constant 0 : i32
    return %c0_i32, %c0_i32_0, %arg0, %c0_i32_1, %c0_i32_2 : i32, i32, i32, i32, i32
  }
}

</mosaic_0001>

<sc_bundles>
// kernel: kernel.4.cloned.1.call-start
scs
__scs_entry_jumppad:
0x0: {  	(pc) =	sbr.rel $0x88, $3  }
0x1: {  	(tag) =	ssettag $0x0;
	lr =	simm.s32 $0x1  }
0x2: {  	[smem:$0x3FA0] =	sst lr;
	_ =	strace $0xD0000000  }
0x3: {  	_ = 	snop  }
0x4: {  	_ = 	snop  }
0x5: {  	_ = 	snop  }
0x6: {  	_ = 	snop  }
0x7: {  	_ = 	snop  }
__scs_overlays_trampoline_lowered:
0x8: {  	[smem:$0x3FAF] =	sst s0  }
0x9: {  	[smem:$0x3FB0] =	sst s1  }
0xa: {  	[smem:$0x3FB1] =	sst s2  }
0xb: {  	[smem:$0x3FB2] =	sst s3  }
0xc: {  	[smem:$0x3FB3] =	sst s4  }
0xd: {  	[smem:$0x3FB4] =	sst s5  }
0xe: {  	[smem:$0x3FB5] =	sst s6  }
0xf: {  	[smem:$0x3FB6] =	sst s7  }
0x10: {  	[smem:$0x3FB7] =	sst s8  }
0x11: {  	[smem:$0x3FB8] =	sst s9;
	s0 =	simm.s32 @!p0 $0x0  }
0x12: {  	s1 =	sld [smem:$0x3F9E];
	s0 =	simm.s32 @p0 $0x1  }
0x13: {  	[smem:$0x3FB9] =	sst s0;
	s0 =	simm.s32 @!p1 $0x0  }
0x14: {  	s2 =	sld [smem:$0x3F9D];
	s0 =	simm.s32 @p1 $0x1  }
0x15: {  	[smem:$0x3FBA] =	sst s0;
	s0 =	simm.s32 @!p2 $0x0  }
0x16: {  	s3 =	sld [smem:$0x3FDB];
	s0 =	simm.s32 @p2 $0x1  }
0x17: {  	s4 =	simm.s32 $0x1BF5;
	[smem:$0x3FBC] =	sst s0  }
0x18: {  	s0 =	sld [smem:$0x3F9F];
	_ =	swait.ge [sflag:s4], $0x0  }
0x19: {  	s7 =	sld [smem:$0x3FA0]  }
0x1a: {  	s8 =	sadd.s32 $0xFFFFE003, lr  }
0x1b: {  	s9 =	sadd.s32 $0xFFFFFEF7, lr;
	s5 =	simm.s32 $0xFFFFFFFF;
	p2 =	slt.u32 s8, $0xFFFFF086  }
0x1c: {  	p1 =	slt.u32 s9, $0xF7A;
	s5 =	simm.s32 @!p2 $0x0  }
0x1d: {  	s5 =	simm.s32 @p1 $0x1;
	p0 =	seq.s32 s7, s2  }
0x1e: {  	s7 =	smul.u32 @!p0 $0xF7A, s2;
	p2 =	seq.s32 @!p0 s5, $0x0  }
0x1f: {  	s9 =	smul.u32 $0xF7A, s1;
	s8 =	simm.s32 @!p0 $0x1BF5;
	p2 =	por !p2, p0  }
0x20: {  	[sflag:s8] =	ssyncset.s32 @!p0 $0xFFFFF086;
	s6 =	sadd.s32 @!p0 s3, s7;
	s7 =	simm.s32 @!p0 $0x108  }
0x21: {  	s3 =	sadd.s32 s3, s9;
	s6 =	sadd.s32 @!p0 $0x88, s6;
	s7 =	simm.s32 @p2 $0x1082  }
0x22: {  	[simem:s7], [sflag:s8] =	dma.local @!p0 [hbm:s6], $0xF7A  }
0x23: {  	s9 =	sor.u32 $0xD0000000, s2;
	s6 =	simm.s32 $0x108;
	_ =	swait.ge @!p0 [sflag:s8], $0x0  }
0x24: {  	s3 =	sadd.s32 $0x88, s3;
	s6 =	simm.s32 @!p1 $0x1082;
	[sflag:s4] =	ssyncset.s32 $0xFFFFF086  }
0x25: {  	[simem:s6], [sflag:s4] =	dma.local [hbm:s3], $0xF7A  }
0x26: {  	[smem:$0x3FA0] =	sst s1;
	(tag) =	ssettag s2;
	_ =	strace s9  }
0x27: {  	s1 =	sld [smem:$0x3FB0]  }
0x28: {  	s2 =	sld [smem:$0x3FB1]  }
0x29: {  	s4 =	sld [smem:$0x3FB3]  }
0x2a: {  	p0 =	seq.s32 s5, $0x0;
	s5 =	sld [smem:$0x3FB4]  }
0x2b: {  	s6 =	sld [smem:$0x3FB5]  }
0x2c: {  	s7 =	sld [smem:$0x3FB6]  }
0x2d: {  	s3 =	simm.s32 $0x108;
	s8 =	sld [smem:$0x3FB7]  }
0x2e: {  	s3 =	simm.s32 @!p0 $0x1082;
	s9 =	sld [smem:$0x3FB8]  }
0x2f: {  	lr =	sadd.s32 s0, s3;
	s0 =	sld [smem:$0x3FAF]  }
0x30: {  	s3 =	sld [smem:$0x3FB2]  }
0x31: {  	[smem:$0x3FBB] =	sst s10  }
0x32: {  	s10 =	sld [smem:$0x3FB9];
	_ =	sdelay $0x3  }
0x33: {  	p0 =	seq.s32 s10, $0x1;
	s10 =	sld [smem:$0x3FBB];
	_ =	sdelay $0x3  }
0x34: {  	[smem:$0x3FBB] =	sst s10  }
0x35: {  	s10 =	sld [smem:$0x3FBA];
	_ =	sdelay $0x3  }
0x36: {  	p1 =	seq.s32 s10, $0x1;
	s10 =	sld [smem:$0x3FBB];
	_ =	sdelay $0x3  }
0x37: {  	[smem:$0x3FBB] =	sst s10  }
0x38: {  	s10 =	sld [smem:$0x3FBC]  }
0x39: {  	_ = 	snop;
	(pc) =	sbr.ind lr, $3  }
0x3a: {  	_ = 	snop  }
0x3b: {  	_ = 	snop  }
0x3c: {  	p2 =	seq.s32 s10, $0x1;
	s10 =	sld [smem:$0x3FBB]  }
0x3d: {  	_ =	shalt  }
0x3e: {  	_ =	shalt  }
0x3f: {  	_ =	shalt  }
0x40: {  	_ =	shalt  }
0x41: {  	_ =	shalt  }
0x42: {  	_ =	shalt  }
0x43: {  	_ =	shalt  }
0x44: {  	_ =	shalt  }
0x45: {  	_ =	shalt  }
0x46: {  	_ =	shalt  }
0x47: {  	_ =	shalt  }
0x48: {  	_ =	shalt  }
0x49: {  	_ =	shalt  }
0x4a: {  	_ =	shalt  }
0x4b: {  	_ =	shalt  }
0x4c: {  	_ =	shalt  }
0x4d: {  	_ =	shalt  }
0x4e: {  	_ =	shalt  }
0x4f: {  	_ =	shalt  }
0x50: {  	_ =	shalt  }
0x51: {  	_ =	shalt  }
0x52: {  	_ =	shalt  }
0x53: {  	_ =	shalt  }
0x54: {  	_ =	shalt  }
0x55: {  	_ =	shalt  }
0x56: {  	_ =	shalt  }
0x57: {  	_ =	shalt  }
0x58: {  	_ =	shalt  }
0x59: {  	_ =	shalt  }
0x5a: {  	_ =	shalt  }
0x5b: {  	_ =	shalt  }
0x5c: {  	_ =	shalt  }
0x5d: {  	_ =	shalt  }
0x5e: {  	_ =	shalt  }
0x5f: {  	_ =	shalt  }
0x60: {  	_ =	shalt  }
0x61: {  	_ =	shalt  }
0x62: {  	_ =	shalt  }
0x63: {  	_ =	shalt  }
0x64: {  	_ =	shalt  }
0x65: {  	_ =	shalt  }
0x66: {  	_ =	shalt  }
0x67: {  	_ =	shalt  }
0x68: {  	_ =	shalt  }
0x69: {  	_ =	shalt  }
0x6a: {  	_ =	shalt  }
0x6b: {  	_ =	shalt  }
0x6c: {  	_ =	shalt  }
0x6d: {  	_ =	shalt  }
0x6e: {  	_ =	shalt  }
0x6f: {  	_ =	shalt  }
0x70: {  	_ =	shalt  }
0x71: {  	_ =	shalt  }
0x72: {  	_ =	shalt  }
0x73: {  	_ =	shalt  }
0x74: {  	_ =	shalt  }
0x75: {  	_ =	shalt  }
0x76: {  	_ =	shalt  }
0x77: {  	_ =	shalt  }
0x78: {  	_ =	shalt  }
0x79: {  	_ =	shalt  }
0x7a: {  	_ =	shalt  }
0x7b: {  	_ =	shalt  }
0x7c: {  	_ =	shalt  }
0x7d: {  	_ =	shalt  }
0x7e: {  	_ =	shalt  }
0x7f: {  	_ =	shalt  }
0x80: {  	_ =	shalt  }
0x81: {  	_ =	shalt  }
0x82: {  	_ =	shalt  }
0x83: {  	_ =	shalt  }
0x84: {  	_ =	shalt  }
0x85: {  	_ =	shalt  }
0x86: {  	_ =	shalt  }
0x87: {  	_ =	shalt  }
.Lfunc_end0:
.L_simem_size_0:
called_computation_lowered:
.L_overlay_start_0:
0x88: {  	s2 =	sld [smem:$0x3FD9]  }
0x89: {  	s3 =	sld [smem:$0x3FFE];
	_ =	sdelay $0x1  }
0x8a: {  	s1 =	srdreg.scid  }
0x8b: {  	s0 =	sand.u32 $0x1, s1  }
0x8c: {  	s18 =	sshll.u32 s0, $0xA;
	s2 =	sadd.s32 s3, s2  }
0x8d: {  	s2 =	sadd.s32 s2, s18  }
0x8e: {  	[smem:$0x3FC7] =	sst s2  }
0x8f: {  	_ = 	snop  }
0x90: {  	s2 =	sld [smem:$0x3FC9]  }
0x91: {  	s19 =	sld [smem:$0x3FD0];
	(tm) =	ssettm $0x1  }
0x92: {  	s4 =	sld [smem:$0x3FFB];
	_ =	sdelay $0x3  }
0x93: {  	_ =	strace s4  }
0x94: {  	s4 =	sld [smem:$0x3FFC];
	_ =	sdelay $0x3  }
0x95: {  	_ =	strace s4  }
0x96: {  	s4 =	sld [smem:$0x3FFD];
	_ =	sdelay $0x3  }
0x97: {  	_ =	strace s4  }
0x98: {  	_ =	strace $0x8FFFFFFF  }
0x99: {  	s20 =	sld [smem:$0x3FDB];
	_ =	sdelay $0x1  }
0x9a: {  	s5 =	simm.s32 $_scs_section_size  }
0x9b: {  	s6 =	simm.s32 $_size__tile_overlayer_lowered;
	s7 =	simm.s32 $_tile_overlayer_lowered  }
0x9c: {  	s23 =	simm.s32 $0x1BFF;
	s22 =	sshll.u32 s7, $0x1;
	s4 =	sadd.s32 s5, s20  }
0x9d: {  	s8 =	simm.s32 $0x0;
	s21 =	sshll.u32 s6, $0x1;
	s6 =	sadd.s32 s22, s4  }
0x9e: {  	[timem:s8], [sflag:s23] =	dma.local [hbm:s6], s21  }
0x9f: {  	_ =	swait.ge [sflag:s23], s21  }
0xa0: {  	s5 =	ssub.s32 $0x0, s21;
	[sflag:s23] =	ssyncset.done $0x0  }
0xa1: {  	[sflag:s23] =	ssyncadd.s32 s5;
	_ =	sdelay $0x1  }
0xa2: {  	s24 =	simm.s32 $0x1B8B  }
0xa3: {  	_ =	swait.ge [sflag:s24], $0x1  }
0xa4: {  	[sflag:s24] =	ssyncset.done $0x0  }
0xa5: {  	s25 =	simm.s32 $0x1B8E;
	[sflag:s24] =	ssyncadd.s32 $0xFFFFFFFF  }
0xa6: {  	s26 =	simm.s32 $execute0_lowered;
	[smem:$0x3FD2] =	sst s25  }
0xa7: {  	s5 =	sshll.u32 s26, $0x1;
	_ =	strace $0x80000046;
	[dreg:$0x1] =	wrdreg $0xFFFFFFFF  }
0xa8: {  	s28 =	simm.s32 $_size_execute0_lowered;
	s4 =	sadd.s32 s4, s5;
	[dreg:$0x0] =	wrdreg $0x0  }
0xa9: {  	s5 =	sshll.u32 s28, $0x1;
	[dreg:$0x2] =	wrdreg s4  }
0xaa: {  	[dreg:$0x3] =	wrdreg s5  }
0xab: {  	[dreg:$0x4] =	wrdreg $0xC0  }
0xac: {  	_ =	task [dreg:s8], $0x5FFFF  }
0xad: {  	[dreg:$0x1] =	wrdreg $0xFFFFFFFF  }
0xae: {  	[dreg:$0x0] =	wrdreg $0x60  }
0xaf: {  	[dreg:$0x2] =	wrdreg s2  }
0xb0: {  	[dreg:$0x3] =	wrdreg s19  }
0xb1: {  	[dreg:$0x4] =	wrdreg $0x9  }
0xb2: {  	_ =	task.clear_ibuf [dreg:s8], $0x5FFFF;
	_ =	strace $0x90000046  }
0xb3: {  	s29 =	simm.s32 $0x9;
	_ =	strace $0x80000048  }
0xb4: {  	_ =	swait.ge [sflag:s29], $0x1  }
0xb5: {  	[sflag:s29] =	ssyncadd.s32 $0xFFFFFFFF  }
0xb6: {  	_ =	strace $0x90000048  }
0xb7: {  	_ =	sfence  }
0xb8: {  	s30 =	sld [smem:$0x0];
	_ =	sdelay $0x2  }
0xb9: {  	s31 =	sshll.u32 s1, $0xD;
	s1 =	sshrl.u32 s1, $0x2  }
0xba: {  	s3 =	sand.u32 $0x4000, s31;
	s1 =	sadd.s32 s1, s30  }
0xbb: {  	s0 =	sor.u32 s3, s0;
	s1 =	sshll.u32 s1, $0x11  }
0xbc: {  	s0 =	sor.u32 s1, s0  }
0xbd: {  	s0 =	sadd.s32 $0x8F2B, s0  }
0xbe: {  	[sflag:s0] =	ssyncadd.remote.s32 $0x1  }
0xbf: {  	_ =	sfence.sel $0xFFFF  }
0xc0: {  	[dreg:$0x0] =	wrdreg $0xFFFFFFFF;
	(pc) =	sbr.abs _section_cstart, $3  }
0xc1: {  	[dreg:$0x1] =	wrdreg $0xFFFFFFFF  }
0xc2: {  	_ =	task.clear_ibuf [dreg:s8], $0x2FFFF;
	_ =	strace $0x9FFFFFFF  }
0xc3: {  	(tm) =	ssettm $0x7FFFFFFF  }
tec
execute0_lowered:
.L_overlay_start_1:
0x0: {  	(tag) =	ssettag $0x1  }
0x1: {  	s1 =	srdreg.scid;
	s0 =	stileid.u32  }
0x2: {  	s8 =	sand.u32 $0x1, s1;
	s25 =	sshll.u32 s0, $0x2  }
0x3: {  	s2 =	sshll.u32 s8, $0x1;
	s1 =	sand.u32 $0x1C, s25  }
0x4: {  	s3 =	rddreg [dreg:$0x0];
	s5 =	sshrl.u32 s0, $0x3;
	s6 =	sor.u32 s2, s1  }
0x5: {  	s9 =	rddreg [dreg:$0x1];
	s7 =	sshll.u32 s5, $0x17;
	s4 =	sshll.u32 s6, $0x12  }
0x6: {  	s10 =	sadd.s32 $0x7FF6, s3;
	s2 =	simm.s32 $0x0;
	s4 =	sor.u32 s7, s4  }
0x7: {  	s3 =	simm.s32 $0x1;
	[smem:$0x7FF] =	sst s2;
	s4 =	sshrl.u32 s4, $0x3  }
0x8: {  	v0 =	vimm.s32 $0xF;
	s1 =	rddreg [dreg:$0x2];
	_ =	strace $0x80000047;
	s4 =	sadd.s32 s4, s10  }
0x9: {  	[tilespmem:s2], [sflag:$0x1] =	stream.linear.gather [hbm4b:s4+s2], $0x10, $0x38;
	[tilespmem:$0x100] =	vst v63  }
0xa: {  	_ =	swait.ge [sflag:s3], $0x10  }
0xb: {  	[sflag:s3] =	ssyncset.done $0x0  }
0xc: {  	[sflag:s3] =	ssyncadd.s32 $0xFFFFFFF0  }
0xd: {  	v1 =	vld.idx.msk [tilespmem:v0+s2+$0x0], $0xffff;
	_ =	sdelay $0x2  }
0xe: {  	s11 =	sshll.u32 s5, $0x19;
	s26 =	sshll.u32 s6, $0x14  }
0xf: {  	vm0 =	vcmask $0x308;
	s5 =	sor.u32 s11, s26  }
0x10: {  	s12 =	sor.u32 $0x1, s6;
	s5 =	sshrl.u32 s5, $0x3;
	v1 =	vsel vm0, $0x0, v1  }
0x11: {  	s6 =	simm.s32 $0x80;
	s13 =	sshll.u32 s12, $0x12;
	s5 =	sadd.s32 s9, s5;
	[tilespmem:$0x80] =	vst v1  }
0x12: {  	[hbm4b:s5+s2] =	stream.linear.scatter [tilespmem:s6], [sflag:$0x1], $0x10, $0x38;
	[tilespmem:$0x100] =	vst v63  }
0x13: {  	s7 =	sor.u32 s7, s13;
	_ =	swait.ge [sflag:s3], $0x10  }
0x14: {  	s7 =	sshrl.u32 s7, $0x3;
	[sflag:s3] =	ssyncset.done $0x0  }
0x15: {  	s7 =	sadd.s32 s7, s10;
	[sflag:s3] =	ssyncadd.s32 $0xFFFFFFF0  }
0x16: {  	[tilespmem:s2], [sflag:$0x1] =	stream.linear.gather [hbm4b:s7+s2], $0x10, $0x38;
	[tilespmem:$0x100] =	vst v63  }
0x17: {  	_ =	swait.ge [sflag:s3], $0x10  }
0x18: {  	[sflag:s3] =	ssyncset.done $0x0  }
0x19: {  	[sflag:s3] =	ssyncadd.s32 $0xFFFFFFF0  }
0x1a: {  	s8 =	ssub.s32 $0x2, s8;
	v1 =	vld.idx.msk [tilespmem:v0+s2+$0x0], $0xffff  }
0x1b: {  	s29 =	sshrl.u32 s8, $0x1;
	s28 =	sshll.u32 s12, $0x14  }
0x1c: {  	s10 =	sor.u32 s11, s28;
	s11 =	ssub.s32 s8, s29  }
0x1d: {  	s31 =	smax.u32 s11, $0x1  }
0x1e: {  	p0 =	sne.s32 s31, $0x1  }
.Ltmp0:
0x1f: {  	s30 =	sshrl.u32 s10, $0x3;
	v1 =	vsel vm0, $0x0, v1;
	(pc) =	sbr.rel @!p0 .LBB2_2-.Ltmp0, $4  }
0x20: {  	s8 =	sadd.s32 s9, s30;
	[tilespmem:$0x80] =	vst v1  }
0x21: {  	[hbm4b:s8+s2] =	stream.linear.scatter [tilespmem:s6], [sflag:$0x1], $0x10, $0x38;
	[tilespmem:$0x100] =	vst v63  }
0x22: {  	_ =	swait.ge [sflag:s3], $0x10  }
0x23: {  	s9 =	sadd.s32 $0xFFFFFFFF, s31;
	[sflag:s3] =	ssyncset.done $0x0  }
.LBB2_1:
0x24: {  	p0 =	sne.s32 s9, $0x1;
	s9 =	sadd.s32 $0xFFFFFFFF, s9;
	[sflag:s3] =	ssyncadd.s32 $0xFFFFFFF0  }
0x25: {  	[tilespmem:s2], [sflag:$0x1] =	stream.linear.gather [hbm4b:s4+s2], $0x10, $0x38;
	[tilespmem:$0x100] =	vst v63  }
0x26: {  	_ =	swait.ge [sflag:s3], $0x10  }
0x27: {  	[sflag:s3] =	ssyncset.done $0x0  }
0x28: {  	[sflag:s3] =	ssyncadd.s32 $0xFFFFFFF0  }
0x29: {  	v1 =	vld.idx.msk [tilespmem:v0+s2+$0x0], $0xffff;
	_ =	sdelay $0x5  }
0x2a: {  	v1 =	vsel vm0, $0x0, v1  }
0x2b: {  	[tilespmem:$0x80] =	vst v1  }
0x2c: {  	[hbm4b:s5+s2] =	stream.linear.scatter [tilespmem:s6], [sflag:$0x1], $0x10, $0x38;
	[tilespmem:$0x100] =	vst v63  }
0x2d: {  	_ =	swait.ge [sflag:s3], $0x10  }
0x2e: {  	[sflag:s3] =	ssyncset.done $0x0  }
0x2f: {  	[sflag:s3] =	ssyncadd.s32 $0xFFFFFFF0  }
0x30: {  	[tilespmem:s2], [sflag:$0x1] =	stream.linear.gather [hbm4b:s7+s2], $0x10, $0x38;
	[tilespmem:$0x100] =	vst v63  }
0x31: {  	_ =	swait.ge [sflag:s3], $0x10  }
0x32: {  	[sflag:s3] =	ssyncset.done $0x0  }
0x33: {  	[sflag:s3] =	ssyncadd.s32 $0xFFFFFFF0  }
0x34: {  	v1 =	vld.idx.msk [tilespmem:v0+s2+$0x0], $0xffff;
	_ =	sdelay $0x5  }
.Ltmp1:
0x35: {  	v1 =	vsel vm0, $0x0, v1;
	(pc) =	sbr.rel @p0 .LBB2_1-.Ltmp1, $4  }
0x36: {  	[tilespmem:$0x80] =	vst v1  }
0x37: {  	[hbm4b:s8+s2] =	stream.linear.scatter [tilespmem:s6], [sflag:$0x1], $0x10, $0x38;
	[tilespmem:$0x100] =	vst v63  }
0x38: {  	_ =	swait.ge [sflag:s3], $0x10  }
0x39: {  	[sflag:s3] =	ssyncset.done $0x0  }
.LBB2_2:
0x3a: {  	[sflag:s3] =	ssyncadd.s32 $0xFFFFFFF0  }
0x3b: {  	_ =	sfence.sel $0x180000  }
0x3c: {  	[bflag:$0x0] =	sbarrier.arrive $0xFFFF  }
0x3d: {  	p0 =	sne.s32 s0, $0x0;
	_ =	strace $0x90000047  }
0x3e: {  	s0 =	sadd.s32 @!p0 $0x100000, s1;
	[bflag:$0x2] =	sbarrier.arrive $0xFFFF  }
0x3f: {  	[sflag:s0] =	ssyncadd.tile.s32 @!p0 $0x1;
	_ =	shalt  }
.Lfunc_end2:
_tile_overlayer_lowered:
.L_overlay_start_2:
0x40: {  	(tag) =	ssettag $0x2  }
0x41: {  	s0 =	rddreg [dreg:$0x0];
	s2 =	stileid.u32  }
0x42: {  	s1 =	rddreg [dreg:$0x1];
	p0 =	sne.s32 s2, $0x0  }
0x43: {  	s3 =	rddreg [dreg:$0x2];
	[bflag:$0x3] =	sbarrier.arrive $0xFFFF;
	s2 =	simm.s32 @!p0 $0x1C01  }
0x44: {  	[timem:s3], [sflag:s2] =	dma.local @!p0 [hbm:s0], s1  }
0x45: {  	s0 =	simm.s32 @!p0 $0x1  }
0x46: {  	_ =	swait.ge @!p0 [sflag:s0], s1  }
0x47: {  	s1 =	ssub.s32 @!p0 $0x0, s1;
	[sflag:s0] =	ssyncset.done @!p0 $0x0  }
0x48: {  	[sflag:s0] =	ssyncadd.s32 @!p0 s1  }
0x49: {  	[bflag:$0x3] =	sbarrier.arrive $0xFFFF  }
0x4a: {  	_ =	shalt  }

</sc_bundles>
